<compile_context>
chip_gen: v7x
topology: tpu7x:2x2x1
jax: 0.10.2.dev20260603
libtpu: 0.0.44.dev20260713+nightly
codegen_flags: <defaults>
</compile_context>

<pallas_src>
import functools

import jax
import jax.numpy as jnp
from jax import lax
from jax.experimental import pallas as pl
from jax.experimental.pallas import tpu as pltpu
from jax.experimental.pallas import tpu_sc as plsc

_N_CELLS = 200
_N_REGIONS = 500
_N_FRAGMENTS = 6400000
_NUM_SEG = _N_CELLS * _N_REGIONS

_NW = 32
_PER_W = _N_FRAGMENTS // _NW
_CHUNK = 2000
_NBUF = 4
_NCH = _PER_W // _CHUNK
_NV = _CHUNK // 16
_UNROLL = 5

_mesh = plsc.VectorSubcoreMesh(core_axis_name="c", subcore_axis_name="s")


@functools.partial(
    pl.kernel,
    out_type=jax.ShapeDtypeStruct((_NW, _NUM_SEG), jnp.float32),
    mesh=_mesh,
    compiler_params=pltpu.CompilerParams(needs_layout_passes=False),
    scratch_types=[
        pltpu.VMEM((_NUM_SEG,), jnp.float32),
        pltpu.VMEM((_NBUF * _CHUNK + 16,), jnp.int32),
        pltpu.VMEM((_NBUF * _CHUNK,), jnp.float32),
        pltpu.SemaphoreType.DMA((_NBUF,)),
        pltpu.SemaphoreType.DMA((_NBUF,)),
    ],
)
def _sc_segsum(ix_hbm, pos_hbm, out_hbm, acc, ixb, valb, six, sval):
    wid = lax.axis_index("s") * 2 + lax.axis_index("c")
    base = wid * _PER_W

    zero16 = jnp.zeros((16,), jnp.float32)

    lane = lax.iota(jnp.int32, 16)
    lane15 = lane == 15
    not15 = lane != 15

    def start_chunk(c, slot):
        off = base + c * _CHUNK
        pltpu.async_copy(
            ix_hbm.at[pl.ds(off, _CHUNK)], ixb.at[pl.ds(slot * _CHUNK, _CHUNK)],
            six.at[slot])
        pltpu.async_copy(
            pos_hbm.at[pl.ds(off, _CHUNK)],
            valb.at[pl.ds(slot * _CHUNK, _CHUNK)], sval.at[slot])

    def wait_chunk(c, slot):
        off = base + c * _CHUNK
        pltpu.make_async_copy(
            ix_hbm.at[pl.ds(off, _CHUNK)], ixb.at[pl.ds(slot * _CHUNK, _CHUNK)],
            six.at[slot]).wait()
        pltpu.make_async_copy(
            pos_hbm.at[pl.ds(off, _CHUNK)],
            valb.at[pl.ds(slot * _CHUNK, _CHUNK)], sval.at[slot]).wait()

    for p in range(_NBUF - 1):
        start_chunk(p, p)

    def zbody(i, carry):
        for k in range(8):
            acc[pl.ds(i * 128 + k * 16, 16)] = zero16
        return carry

    lax.fori_loop(0, _NUM_SEG // 128, zbody, 0)
    acc[pl.ds(_NUM_SEG - 32, 16)] = zero16
    acc[pl.ds(_NUM_SEG - 16, 16)] = zero16

    def group_step(ib, vb, g):
        items = []
        for u in range(_UNROLL):
            j = g * _UNROLL + u
            idx = ixb[pl.ds(ib + j * 16, 16)]
            idxn = ixb[pl.ds(ib + j * 16 + 1, 16)]
            val = valb[pl.ds(vb + j * 16, 16)]
            items.append((idx, idxn, val))
        outs = []
        for idx, idxn, val in items:
            c = plsc.cumsum(val)
            bound = idx != idxn
            outs.append((idx, idxn, c, bound))
        for idx, idxn, c, bound in outs:
            plsc.addupdate_scatter(acc, [idx], c, mask=bound | lane15)
            plsc.addupdate_scatter(acc, [idxn], -c, mask=bound & not15)

    def process_chunk(slot):
        ib = slot * _CHUNK
        vb = slot * _CHUNK

        def vbody(g, carry):
            group_step(ib, vb, g)
            return carry

        lax.fori_loop(0, _NV // _UNROLL, vbody, 0)

    def outer(c, carry):
        slot = lax.rem(c, _NBUF)

        @pl.when(c + _NBUF - 1 < _NCH)
        def _():
            start_chunk(c + _NBUF - 1, lax.rem(c + _NBUF - 1, _NBUF))

        wait_chunk(c, slot)
        process_chunk(slot)
        return carry

    lax.fori_loop(0, _NCH, outer, 0)

    pltpu.sync_copy(acc, out_hbm.at[wid])


def _tc_combine(parts_ref, cnt_ref, out_ref):
    out_ref[...] = jnp.sum(parts_ref[...], axis=0) + cnt_ref[...]


def kernel(likelihood_position, likelihood_count, local_cellxregion_ix):
    ix = local_cellxregion_ix.astype(jnp.int32)
    parts = _sc_segsum(ix, likelihood_position)
    parts3 = parts.reshape(_NW, _N_CELLS, _N_REGIONS)
    cnt = likelihood_count.reshape(_N_CELLS, _N_REGIONS)
    out = pl.pallas_call(
        _tc_combine,
        out_shape=jax.ShapeDtypeStruct((_N_CELLS, _N_REGIONS), jnp.float32),
    )(parts3, cnt)
    return out

# --- scband reference (transcript-rebuilt; emitter-appended) ---
"""Pipeline reference for scband-model-42219528519997 (READ-ONLY COPY).

The authoritative reference and input builder live on the scoring server;
editing this copy changes nothing except your own understanding.
"""

import jax, jax.numpy as jnp
import numpy as np

N_CELLS = 200
N_REGIONS = 500
N_FRAGMENTS = 6400000


def setup_inputs(seed: int = 0) -> dict:
    key = jax.random.key(seed)
    k1, k2, k3 = jax.random.split(key, 3)
    likelihood_position = jax.random.normal(k1, (N_FRAGMENTS,), dtype=jnp.float32)
    likelihood_count = jax.random.normal(k2, (N_CELLS * N_REGIONS,), dtype=jnp.float32)
    local_cellxregion_ix = jnp.sort(
        jax.random.randint(k3, (N_FRAGMENTS,), 0, N_CELLS * N_REGIONS, dtype=jnp.int64)
        if jax.config.jax_enable_x64
        else jax.random.randint(k3, (N_FRAGMENTS,), 0, N_CELLS * N_REGIONS, dtype=jnp.int32)
    )
    return {
        "likelihood_position": likelihood_position,
        "likelihood_count": likelihood_count,
        "local_cellxregion_ix": local_cellxregion_ix,
    }


def reference(likelihood_position, likelihood_count, local_cellxregion_ix):
    # segment_sum_coo of per-fragment position likelihoods into the
    # (n_cells, n_regions) grid (torch_scatter.segment_sum_coo equivalent;
    # indices are sorted), then add per-(cell,region) count likelihoods.
    num_segments = N_CELLS * N_REGIONS
    lik_pos_cr = jax.ops.segment_sum(
        likelihood_position,
        local_cellxregion_ix,
        num_segments=num_segments,
        indices_are_sorted=True,
    ).reshape((N_CELLS, N_REGIONS))
    lik_count_cr = likelihood_count.reshape((N_CELLS, N_REGIONS))
    likelihood = lik_pos_cr + lik_count_cr
    return likelihood

if __name__ == "__main__":
    import jax
    _d = setup_inputs()
    print(jax.jit(kernel)(*tuple(_d.values())))

</pallas_src>

<mosaic_0001>
#map = affine_map<(d0, d1) -> (0)>
#map1 = affine_map<(d0, d1) -> (0, 0)>
module attributes {stable_mosaic.version = 14 : i64} {
  func.func @_sc_segsum(%arg0: i32, %arg1: i32, %arg2: memref<6400000xi32, #tpu.memory_space<hbm>>, %arg3: memref<6400000xf32, #tpu.memory_space<hbm>>, %arg4: memref<32x100000xf32, #tpu.memory_space<hbm>>, %arg5: memref<100000xf32, #tpu.memory_space<vmem>>, %arg6: memref<8016xi32, #tpu.memory_space<vmem>>, %arg7: memref<8000xf32, #tpu.memory_space<vmem>>, %arg8: memref<4x!tpu.dma_semaphore, #tpu.memory_space<semaphore_mem>>, %arg9: memref<4x!tpu.dma_semaphore, #tpu.memory_space<semaphore_mem>>) attributes {dimension_semantics = [#tpu.dimension_semantics<core_parallel>, #tpu.dimension_semantics<subcore_parallel>], iteration_bounds = array<i64: 2, 16>, scalar_prefetch = 0 : i64, scratch_operands = 5 : i64, tpu.core_type = #tpu.core_type<sc_vector_subcore>, window_params = [{transform_indices = #map}, {transform_indices = #map}, {transform_indices = #map1}]} {
    %mul3A = arith.constant 2 : i32
    %mul3A_0 = arith.muli %arg1, %mul3A : i32
    %add3A = arith.addi %mul3A_0, %arg0 : i32
    %mul3A_1 = arith.constant 200000 : i32
    %mul3A_2 = arith.muli %add3A, %mul3A_1 : i32
    %broadcast_in_dim3A = arith.constant 0.000000e+00 : f32
    %broadcast_in_dim3A_3 = vector.broadcast %broadcast_in_dim3A : f32 to vector<16xf32>
    %iota3A = tpu.iota {dimensions = array<i32: 0>} : vector<16xi32>
    %eq3A = arith.constant 15 : i32
    %eq3A_4 = vector.broadcast %eq3A : i32 to vector<16xi32>
    %eq3A_5 = arith.cmpi eq, %iota3A, %eq3A_4 : vector<16xi32>
    %ne3A = arith.constant 15 : i32
    %ne3A_6 = vector.broadcast %ne3A : i32 to vector<16xi32>
    %ne3A_7 = arith.cmpi ne, %iota3A, %ne3A_6 : vector<16xi32>
    %add3A_8 = arith.constant 0 : i32
    %add3A_9 = arith.addi %mul3A_2, %add3A_8 : i32
    %dma_start3A = arith.constant 0 : i32
    %dma_start3A_10 = arith.constant 0 : i32
    %dma_start3A_11 = tpu.memref_slice %arg6[%dma_start3A_10] : memref<8016xi32, #tpu.memory_space<vmem>> -> memref<2000xi32, #tpu.memory_space<vmem>>
    %dma_start3A_12 = tpu.memref_slice %arg2[%add3A_9] : memref<6400000xi32, #tpu.memory_space<hbm>> -> memref<2000xi32, #tpu.memory_space<hbm>>
    %dma_start3A_13 = tpu.memref_slice %arg8[%dma_start3A] : memref<4x!tpu.dma_semaphore, #tpu.memory_space<semaphore_mem>> -> memref<1x!tpu.dma_semaphore, #tpu.memory_space<semaphore_mem>>
    %dma_start3A_14 = tpu.memref_squeeze %dma_start3A_13 : memref<1x!tpu.dma_semaphore, #tpu.memory_space<semaphore_mem>> -> memref<!tpu.dma_semaphore, #tpu.memory_space<semaphore_mem>>
    %dma_start3A_15 = arith.constant 0 : i32
    %dma_start3A_16 = tpu.memref_slice %arg6[%dma_start3A_15] : memref<8016xi32, #tpu.memory_space<vmem>> -> memref<2000xi32, #tpu.memory_space<vmem>>
    %dma_start3A_17 = tpu.memref_slice %arg2[%add3A_9] : memref<6400000xi32, #tpu.memory_space<hbm>> -> memref<2000xi32, #tpu.memory_space<hbm>>
    tpu.enqueue_dma source(%dma_start3A_17 : memref<2000xi32, #tpu.memory_space<hbm>>) target(%dma_start3A_16 : memref<2000xi32, #tpu.memory_space<vmem>>) target_semaphore(%dma_start3A_14 : memref<!tpu.dma_semaphore, #tpu.memory_space<semaphore_mem>>)
    %dma_start3A_18 = arith.constant 0 : i32
    %dma_start3A_19 = arith.constant 0 : i32
    %dma_start3A_20 = tpu.memref_slice %arg7[%dma_start3A_19] : memref<8000xf32, #tpu.memory_space<vmem>> -> memref<2000xf32, #tpu.memory_space<vmem>>
    %dma_start3A_21 = tpu.memref_slice %arg3[%add3A_9] : memref<6400000xf32, #tpu.memory_space<hbm>> -> memref<2000xf32, #tpu.memory_space<hbm>>
    %dma_start3A_22 = tpu.memref_slice %arg9[%dma_start3A_18] : memref<4x!tpu.dma_semaphore, #tpu.memory_space<semaphore_mem>> -> memref<1x!tpu.dma_semaphore, #tpu.memory_space<semaphore_mem>>
    %dma_start3A_23 = tpu.memref_squeeze %dma_start3A_22 : memref<1x!tpu.dma_semaphore, #tpu.memory_space<semaphore_mem>> -> memref<!tpu.dma_semaphore, #tpu.memory_space<semaphore_mem>>
    %dma_start3A_24 = arith.constant 0 : i32
    %dma_start3A_25 = tpu.memref_slice %arg7[%dma_start3A_24] : memref<8000xf32, #tpu.memory_space<vmem>> -> memref<2000xf32, #tpu.memory_space<vmem>>
    %dma_start3A_26 = tpu.memref_slice %arg3[%add3A_9] : memref<6400000xf32, #tpu.memory_space<hbm>> -> memref<2000xf32, #tpu.memory_space<hbm>>
    tpu.enqueue_dma source(%dma_start3A_26 : memref<2000xf32, #tpu.memory_space<hbm>>) target(%dma_start3A_25 : memref<2000xf32, #tpu.memory_space<vmem>>) target_semaphore(%dma_start3A_23 : memref<!tpu.dma_semaphore, #tpu.memory_space<semaphore_mem>>)
    %add3A_27 = arith.constant 2000 : i32
    %add3A_28 = arith.addi %mul3A_2, %add3A_27 : i32
    %dma_start3A_29 = arith.constant 1 : i32
    %dma_start3A_30 = arith.constant 2000 : i32
    %dma_start3A_31 = tpu.memref_slice %arg6[%dma_start3A_30] : memref<8016xi32, #tpu.memory_space<vmem>> -> memref<2000xi32, #tpu.memory_space<vmem>>
    %dma_start3A_32 = tpu.memref_slice %arg2[%add3A_28] : memref<6400000xi32, #tpu.memory_space<hbm>> -> memref<2000xi32, #tpu.memory_space<hbm>>
    %dma_start3A_33 = tpu.memref_slice %arg8[%dma_start3A_29] : memref<4x!tpu.dma_semaphore, #tpu.memory_space<semaphore_mem>> -> memref<1x!tpu.dma_semaphore, #tpu.memory_space<semaphore_mem>>
    %dma_start3A_34 = tpu.memref_squeeze %dma_start3A_33 : memref<1x!tpu.dma_semaphore, #tpu.memory_space<semaphore_mem>> -> memref<!tpu.dma_semaphore, #tpu.memory_space<semaphore_mem>>
    %dma_start3A_35 = arith.constant 2000 : i32
    %dma_start3A_36 = tpu.memref_slice %arg6[%dma_start3A_35] : memref<8016xi32, #tpu.memory_space<vmem>> -> memref<2000xi32, #tpu.memory_space<vmem>>
    %dma_start3A_37 = tpu.memref_slice %arg2[%add3A_28] : memref<6400000xi32, #tpu.memory_space<hbm>> -> memref<2000xi32, #tpu.memory_space<hbm>>
    tpu.enqueue_dma source(%dma_start3A_37 : memref<2000xi32, #tpu.memory_space<hbm>>) target(%dma_start3A_36 : memref<2000xi32, #tpu.memory_space<vmem>>) target_semaphore(%dma_start3A_34 : memref<!tpu.dma_semaphore, #tpu.memory_space<semaphore_mem>>)
    %dma_start3A_38 = arith.constant 1 : i32
    %dma_start3A_39 = arith.constant 2000 : i32
    %dma_start3A_40 = tpu.memref_slice %arg7[%dma_start3A_39] : memref<8000xf32, #tpu.memory_space<vmem>> -> memref<2000xf32, #tpu.memory_space<vmem>>
    %dma_start3A_41 = tpu.memref_slice %arg3[%add3A_28] : memref<6400000xf32, #tpu.memory_space<hbm>> -> memref<2000xf32, #tpu.memory_space<hbm>>
    %dma_start3A_42 = tpu.memref_slice %arg9[%dma_start3A_38] : memref<4x!tpu.dma_semaphore, #tpu.memory_space<semaphore_mem>> -> memref<1x!tpu.dma_semaphore, #tpu.memory_space<semaphore_mem>>
    %dma_start3A_43 = tpu.memref_squeeze %dma_start3A_42 : memref<1x!tpu.dma_semaphore, #tpu.memory_space<semaphore_mem>> -> memref<!tpu.dma_semaphore, #tpu.memory_space<semaphore_mem>>
    %dma_start3A_44 = arith.constant 2000 : i32
    %dma_start3A_45 = tpu.memref_slice %arg7[%dma_start3A_44] : memref<8000xf32, #tpu.memory_space<vmem>> -> memref<2000xf32, #tpu.memory_space<vmem>>
    %dma_start3A_46 = tpu.memref_slice %arg3[%add3A_28] : memref<6400000xf32, #tpu.memory_space<hbm>> -> memref<2000xf32, #tpu.memory_space<hbm>>
    tpu.enqueue_dma source(%dma_start3A_46 : memref<2000xf32, #tpu.memory_space<hbm>>) target(%dma_start3A_45 : memref<2000xf32, #tpu.memory_space<vmem>>) target_semaphore(%dma_start3A_43 : memref<!tpu.dma_semaphore, #tpu.memory_space<semaphore_mem>>)
    %add3A_47 = arith.constant 4000 : i32
    %add3A_48 = arith.addi %mul3A_2, %add3A_47 : i32
    %dma_start3A_49 = arith.constant 2 : i32
    %dma_start3A_50 = arith.constant 4000 : i32
    %dma_start3A_51 = tpu.memref_slice %arg6[%dma_start3A_50] : memref<8016xi32, #tpu.memory_space<vmem>> -> memref<2000xi32, #tpu.memory_space<vmem>>
    %dma_start3A_52 = tpu.memref_slice %arg2[%add3A_48] : memref<6400000xi32, #tpu.memory_space<hbm>> -> memref<2000xi32, #tpu.memory_space<hbm>>
    %dma_start3A_53 = tpu.memref_slice %arg8[%dma_start3A_49] : memref<4x!tpu.dma_semaphore, #tpu.memory_space<semaphore_mem>> -> memref<1x!tpu.dma_semaphore, #tpu.memory_space<semaphore_mem>>
    %dma_start3A_54 = tpu.memref_squeeze %dma_start3A_53 : memref<1x!tpu.dma_semaphore, #tpu.memory_space<semaphore_mem>> -> memref<!tpu.dma_semaphore, #tpu.memory_space<semaphore_mem>>
    %dma_start3A_55 = arith.constant 4000 : i32
    %dma_start3A_56 = tpu.memref_slice %arg6[%dma_start3A_55] : memref<8016xi32, #tpu.memory_space<vmem>> -> memref<2000xi32, #tpu.memory_space<vmem>>
    %dma_start3A_57 = tpu.memref_slice %arg2[%add3A_48] : memref<6400000xi32, #tpu.memory_space<hbm>> -> memref<2000xi32, #tpu.memory_space<hbm>>
    tpu.enqueue_dma source(%dma_start3A_57 : memref<2000xi32, #tpu.memory_space<hbm>>) target(%dma_start3A_56 : memref<2000xi32, #tpu.memory_space<vmem>>) target_semaphore(%dma_start3A_54 : memref<!tpu.dma_semaphore, #tpu.memory_space<semaphore_mem>>)
    %dma_start3A_58 = arith.constant 2 : i32
    %dma_start3A_59 = arith.constant 4000 : i32
    %dma_start3A_60 = tpu.memref_slice %arg7[%dma_start3A_59] : memref<8000xf32, #tpu.memory_space<vmem>> -> memref<2000xf32, #tpu.memory_space<vmem>>
    %dma_start3A_61 = tpu.memref_slice %arg3[%add3A_48] : memref<6400000xf32, #tpu.memory_space<hbm>> -> memref<2000xf32, #tpu.memory_space<hbm>>
    %dma_start3A_62 = tpu.memref_slice %arg9[%dma_start3A_58] : memref<4x!tpu.dma_semaphore, #tpu.memory_space<semaphore_mem>> -> memref<1x!tpu.dma_semaphore, #tpu.memory_space<semaphore_mem>>
    %dma_start3A_63 = tpu.memref_squeeze %dma_start3A_62 : memref<1x!tpu.dma_semaphore, #tpu.memory_space<semaphore_mem>> -> memref<!tpu.dma_semaphore, #tpu.memory_space<semaphore_mem>>
    %dma_start3A_64 = arith.constant 4000 : i32
    %dma_start3A_65 = tpu.memref_slice %arg7[%dma_start3A_64] : memref<8000xf32, #tpu.memory_space<vmem>> -> memref<2000xf32, #tpu.memory_space<vmem>>
    %dma_start3A_66 = tpu.memref_slice %arg3[%add3A_48] : memref<6400000xf32, #tpu.memory_space<hbm>> -> memref<2000xf32, #tpu.memory_space<hbm>>
    tpu.enqueue_dma source(%dma_start3A_66 : memref<2000xf32, #tpu.memory_space<hbm>>) target(%dma_start3A_65 : memref<2000xf32, #tpu.memory_space<vmem>>) target_semaphore(%dma_start3A_63 : memref<!tpu.dma_semaphore, #tpu.memory_space<semaphore_mem>>)
    %scan3A = arith.constant 0 : i32
    %scan3A_67 = arith.constant 0 : i32
    %scan3A_68 = arith.constant 781 : i32
    %scan3A_69 = arith.addi %scan3A_67, %scan3A_68 : i32
    %scan3A_70 = arith.constant 1 : i32
    scf.for %scan3A_81 = %scan3A_67 to %scan3A_69 step %scan3A_70  : i32 {
      %mul3A_82 = arith.constant 128 : i32
      %mul3A_83 = arith.muli %scan3A_81, %mul3A_82 : i32
      %add3A_84 = arith.constant 0 : i32
      %add3A_85 = arith.addi %mul3A_83, %add3A_84 : i32
      %swap3A_86 = arith.index_cast %add3A_85 : i32 to index
      %swap3A_87 = tpu.vector_load %arg5[%swap3A_86] {strides = array<i32>} : memref<100000xf32, #tpu.memory_space<vmem>>, vector<16xf32>,
      tpu.vector_store %arg5[%swap3A_86], %broadcast_in_dim3A_3 {strides = array<i32>} : memref<100000xf32, #tpu.memory_space<vmem>>, vector<16xf32>,
      %mul3A_88 = arith.constant 128 : i32
      %mul3A_89 = arith.muli %scan3A_81, %mul3A_88 : i32
      %add3A_90 = arith.constant 16 : i32
      %add3A_91 = arith.addi %mul3A_89, %add3A_90 : i32
      %swap3A_92 = arith.index_cast %add3A_91 : i32 to index
      %swap3A_93 = tpu.vector_load %arg5[%swap3A_92] {strides = array<i32>} : memref<100000xf32, #tpu.memory_space<vmem>>, vector<16xf32>,
      tpu.vector_store %arg5[%swap3A_92], %broadcast_in_dim3A_3 {strides = array<i32>} : memref<100000xf32, #tpu.memory_space<vmem>>, vector<16xf32>,
      %mul3A_94 = arith.constant 128 : i32
      %mul3A_95 = arith.muli %scan3A_81, %mul3A_94 : i32
      %add3A_96 = arith.constant 32 : i32
      %add3A_97 = arith.addi %mul3A_95, %add3A_96 : i32
      %swap3A_98 = arith.index_cast %add3A_97 : i32 to index
      %swap3A_99 = tpu.vector_load %arg5[%swap3A_98] {strides = array<i32>} : memref<100000xf32, #tpu.memory_space<vmem>>, vector<16xf32>,
      tpu.vector_store %arg5[%swap3A_98], %broadcast_in_dim3A_3 {strides = array<i32>} : memref<100000xf32, #tpu.memory_space<vmem>>, vector<16xf32>,
      %mul3A_100 = arith.constant 128 : i32
      %mul3A_101 = arith.muli %scan3A_81, %mul3A_100 : i32
      %add3A_102 = arith.constant 48 : i32
      %add3A_103 = arith.addi %mul3A_101, %add3A_102 : i32
      %swap3A_104 = arith.index_cast %add3A_103 : i32 to index
      %swap3A_105 = tpu.vector_load %arg5[%swap3A_104] {strides = array<i32>} : memref<100000xf32, #tpu.memory_space<vmem>>, vector<16xf32>,
      tpu.vector_store %arg5[%swap3A_104], %broadcast_in_dim3A_3 {strides = array<i32>} : memref<100000xf32, #tpu.memory_space<vmem>>, vector<16xf32>,
      %mul3A_106 = arith.constant 128 : i32
      %mul3A_107 = arith.muli %scan3A_81, %mul3A_106 : i32
      %add3A_108 = arith.constant 64 : i32
      %add3A_109 = arith.addi %mul3A_107, %add3A_108 : i32
      %swap3A_110 = arith.index_cast %add3A_109 : i32 to index
      %swap3A_111 = tpu.vector_load %arg5[%swap3A_110] {strides = array<i32>} : memref<100000xf32, #tpu.memory_space<vmem>>, vector<16xf32>,
      tpu.vector_store %arg5[%swap3A_110], %broadcast_in_dim3A_3 {strides = array<i32>} : memref<100000xf32, #tpu.memory_space<vmem>>, vector<16xf32>,
      %mul3A_112 = arith.constant 128 : i32
      %mul3A_113 = arith.muli %scan3A_81, %mul3A_112 : i32
      %add3A_114 = arith.constant 80 : i32
      %add3A_115 = arith.addi %mul3A_113, %add3A_114 : i32
      %swap3A_116 = arith.index_cast %add3A_115 : i32 to index
      %swap3A_117 = tpu.vector_load %arg5[%swap3A_116] {strides = array<i32>} : memref<100000xf32, #tpu.memory_space<vmem>>, vector<16xf32>,
      tpu.vector_store %arg5[%swap3A_116], %broadcast_in_dim3A_3 {strides = array<i32>} : memref<100000xf32, #tpu.memory_space<vmem>>, vector<16xf32>,
      %mul3A_118 = arith.constant 128 : i32
      %mul3A_119 = arith.muli %scan3A_81, %mul3A_118 : i32
      %add3A_120 = arith.constant 96 : i32
      %add3A_121 = arith.addi %mul3A_119, %add3A_120 : i32
      %swap3A_122 = arith.index_cast %add3A_121 : i32 to index
      %swap3A_123 = tpu.vector_load %arg5[%swap3A_122] {strides = array<i32>} : memref<100000xf32, #tpu.memory_space<vmem>>, vector<16xf32>,
      tpu.vector_store %arg5[%swap3A_122], %broadcast_in_dim3A_3 {strides = array<i32>} : memref<100000xf32, #tpu.memory_space<vmem>>, vector<16xf32>,
      %mul3A_124 = arith.constant 128 : i32
      %mul3A_125 = arith.muli %scan3A_81, %mul3A_124 : i32
      %add3A_126 = arith.constant 112 : i32
      %add3A_127 = arith.addi %mul3A_125, %add3A_126 : i32
      %swap3A_128 = arith.index_cast %add3A_127 : i32 to index
      %swap3A_129 = tpu.vector_load %arg5[%swap3A_128] {strides = array<i32>} : memref<100000xf32, #tpu.memory_space<vmem>>, vector<16xf32>,
      tpu.vector_store %arg5[%swap3A_128], %broadcast_in_dim3A_3 {strides = array<i32>} : memref<100000xf32, #tpu.memory_space<vmem>>, vector<16xf32>,
    }
    %scan3A_71 = arith.constant 781 : i32
    %swap3A = arith.constant 99968 : index
    %swap3A_72 = tpu.vector_load %arg5[%swap3A] {strides = array<i32>} : memref<100000xf32, #tpu.memory_space<vmem>>, vector<16xf32>,
    tpu.vector_store %arg5[%swap3A], %broadcast_in_dim3A_3 {strides = array<i32>} : memref<100000xf32, #tpu.memory_space<vmem>>, vector<16xf32>,
    %swap3A_73 = arith.constant 99984 : index
    %swap3A_74 = tpu.vector_load %arg5[%swap3A_73] {strides = array<i32>} : memref<100000xf32, #tpu.memory_space<vmem>>, vector<16xf32>,
    tpu.vector_store %arg5[%swap3A_73], %broadcast_in_dim3A_3 {strides = array<i32>} : memref<100000xf32, #tpu.memory_space<vmem>>, vector<16xf32>,
    %scan3A_75 = arith.constant 0 : i32
    %scan3A_76 = arith.constant 0 : i32
    %scan3A_77 = arith.constant 100 : i32
    %scan3A_78 = arith.addi %scan3A_76, %scan3A_77 : i32
    %scan3A_79 = arith.constant 1 : i32
    scf.for %scan3A_81 = %scan3A_76 to %scan3A_78 step %scan3A_79  : i32 {
      %rem3A = arith.constant 4 : i32
      %rem3A_82 = arith.remsi %scan3A_81, %rem3A : i32
      %add3A_83 = arith.constant 4 : i32
      %add3A_84 = arith.addi %scan3A_81, %add3A_83 : i32
      %sub3A = arith.constant 1 : i32
      %sub3A_85 = arith.subi %add3A_84, %sub3A : i32
      %lt3A = arith.constant 100 : i32
      %lt3A_86 = arith.cmpi slt, %sub3A_85, %lt3A : i32
      %convert_element_type3A = arith.extui %lt3A_86 : i1 to i32
      %cond3A = arith.constant 0 : i32
      %cond3A_87 = arith.cmpi ne, %convert_element_type3A, %cond3A : i32
      scf.if %cond3A_87 {
        %add3A_116 = arith.constant 4 : i32
        %add3A_117 = arith.addi %scan3A_81, %add3A_116 : i32
        %sub3A_118 = arith.constant 1 : i32
        %sub3A_119 = arith.subi %add3A_117, %sub3A_118 : i32
        %add3A_120 = arith.constant 4 : i32
        %add3A_121 = arith.addi %scan3A_81, %add3A_120 : i32
        %sub3A_122 = arith.constant 1 : i32
        %sub3A_123 = arith.subi %add3A_121, %sub3A_122 : i32
        %rem3A_124 = arith.constant 4 : i32
        %rem3A_125 = arith.remsi %sub3A_123, %rem3A_124 : i32
        %mul3A_126 = arith.constant 2000 : i32
        %mul3A_127 = arith.muli %sub3A_119, %mul3A_126 : i32
        %add3A_128 = arith.addi %mul3A_2, %mul3A_127 : i32
        %mul3A_129 = arith.constant 2000 : i32
        %mul3A_130 = arith.muli %rem3A_125, %mul3A_129 : i32
        %dma_start3A_131 = tpu.memref_slice %arg6[%mul3A_130] : memref<8016xi32, #tpu.memory_space<vmem>> -> memref<2000xi32, #tpu.memory_space<vmem>>
        %dma_start3A_132 = tpu.memref_slice %arg2[%add3A_128] : memref<6400000xi32, #tpu.memory_space<hbm>> -> memref<2000xi32, #tpu.memory_space<hbm>>
        %dma_start3A_133 = tpu.memref_slice %arg8[%rem3A_125] : memref<4x!tpu.dma_semaphore, #tpu.memory_space<semaphore_mem>> -> memref<1x!tpu.dma_semaphore, #tpu.memory_space<semaphore_mem>>
        %dma_start3A_134 = tpu.memref_squeeze %dma_start3A_133 : memref<1x!tpu.dma_semaphore, #tpu.memory_space<semaphore_mem>> -> memref<!tpu.dma_semaphore, #tpu.memory_space<semaphore_mem>>
        %dma_start3A_135 = tpu.memref_slice %arg6[%mul3A_130] : memref<8016xi32, #tpu.memory_space<vmem>> -> memref<2000xi32, #tpu.memory_space<vmem>>
        %dma_start3A_136 = tpu.memref_slice %arg2[%add3A_128] : memref<6400000xi32, #tpu.memory_space<hbm>> -> memref<2000xi32, #tpu.memory_space<hbm>>
        tpu.enqueue_dma source(%dma_start3A_136 : memref<2000xi32, #tpu.memory_space<hbm>>) target(%dma_start3A_135 : memref<2000xi32, #tpu.memory_space<vmem>>) target_semaphore(%dma_start3A_134 : memref<!tpu.dma_semaphore, #tpu.memory_space<semaphore_mem>>)
        %mul3A_137 = arith.constant 2000 : i32
        %mul3A_138 = arith.muli %rem3A_125, %mul3A_137 : i32
        %dma_start3A_139 = tpu.memref_slice %arg7[%mul3A_138] : memref<8000xf32, #tpu.memory_space<vmem>> -> memref<2000xf32, #tpu.memory_space<vmem>>
        %dma_start3A_140 = tpu.memref_slice %arg3[%add3A_128] : memref<6400000xf32, #tpu.memory_space<hbm>> -> memref<2000xf32, #tpu.memory_space<hbm>>
        %dma_start3A_141 = tpu.memref_slice %arg9[%rem3A_125] : memref<4x!tpu.dma_semaphore, #tpu.memory_space<semaphore_mem>> -> memref<1x!tpu.dma_semaphore, #tpu.memory_space<semaphore_mem>>
        %dma_start3A_142 = tpu.memref_squeeze %dma_start3A_141 : memref<1x!tpu.dma_semaphore, #tpu.memory_space<semaphore_mem>> -> memref<!tpu.dma_semaphore, #tpu.memory_space<semaphore_mem>>
        %dma_start3A_143 = tpu.memref_slice %arg7[%mul3A_138] : memref<8000xf32, #tpu.memory_space<vmem>> -> memref<2000xf32, #tpu.memory_space<vmem>>
        %dma_start3A_144 = tpu.memref_slice %arg3[%add3A_128] : memref<6400000xf32, #tpu.memory_space<hbm>> -> memref<2000xf32, #tpu.memory_space<hbm>>
        tpu.enqueue_dma source(%dma_start3A_144 : memref<2000xf32, #tpu.memory_space<hbm>>) target(%dma_start3A_143 : memref<2000xf32, #tpu.memory_space<vmem>>) target_semaphore(%dma_start3A_142 : memref<!tpu.dma_semaphore, #tpu.memory_space<semaphore_mem>>)
      } else {
      }
      %mul3A_88 = arith.constant 2000 : i32
      %mul3A_89 = arith.muli %scan3A_81, %mul3A_88 : i32
      %add3A_90 = arith.addi %mul3A_2, %mul3A_89 : i32
      %mul3A_91 = arith.constant 2000 : i32
      %mul3A_92 = arith.muli %rem3A_82, %mul3A_91 : i32
      %dma_wait3A = tpu.memref_slice %arg6[%mul3A_92] : memref<8016xi32, #tpu.memory_space<vmem>> -> memref<2000xi32, #tpu.memory_space<vmem>>
      %dma_wait3A_93 = tpu.memref_slice %arg2[%add3A_90] : memref<6400000xi32, #tpu.memory_space<hbm>> -> memref<2000xi32, #tpu.memory_space<hbm>>
      %dma_wait3A_94 = tpu.memref_slice %arg8[%rem3A_82] : memref<4x!tpu.dma_semaphore, #tpu.memory_space<semaphore_mem>> -> memref<1x!tpu.dma_semaphore, #tpu.memory_space<semaphore_mem>>
      %dma_wait3A_95 = tpu.memref_squeeze %dma_wait3A_94 : memref<1x!tpu.dma_semaphore, #tpu.memory_space<semaphore_mem>> -> memref<!tpu.dma_semaphore, #tpu.memory_space<semaphore_mem>>
      %dma_wait3A_96 = tpu.memref_slice %arg6[%mul3A_92] : memref<8016xi32, #tpu.memory_space<vmem>> -> memref<2000xi32, #tpu.memory_space<vmem>>
      %dma_wait3A_97 = tpu.memref_slice %arg2[%add3A_90] : memref<6400000xi32, #tpu.memory_space<hbm>> -> memref<2000xi32, #tpu.memory_space<hbm>>
      tpu.wait_dma2 semaphore(%dma_wait3A_95 : memref<!tpu.dma_semaphore, #tpu.memory_space<semaphore_mem>>) src(%dma_wait3A_97 : memref<2000xi32, #tpu.memory_space<hbm>>) dst(%dma_wait3A_96 : memref<2000xi32, #tpu.memory_space<vmem>>)
      %mul3A_98 = arith.constant 2000 : i32
      %mul3A_99 = arith.muli %rem3A_82, %mul3A_98 : i32
      %dma_wait3A_100 = tpu.memref_slice %arg7[%mul3A_99] : memref<8000xf32, #tpu.memory_space<vmem>> -> memref<2000xf32, #tpu.memory_space<vmem>>
      %dma_wait3A_101 = tpu.memref_slice %arg3[%add3A_90] : memref<6400000xf32, #tpu.memory_space<hbm>> -> memref<2000xf32, #tpu.memory_space<hbm>>
      %dma_wait3A_102 = tpu.memref_slice %arg9[%rem3A_82] : memref<4x!tpu.dma_semaphore, #tpu.memory_space<semaphore_mem>> -> memref<1x!tpu.dma_semaphore, #tpu.memory_space<semaphore_mem>>
      %dma_wait3A_103 = tpu.memref_squeeze %dma_wait3A_102 : memref<1x!tpu.dma_semaphore, #tpu.memory_space<semaphore_mem>> -> memref<!tpu.dma_semaphore, #tpu.memory_space<semaphore_mem>>
      %dma_wait3A_104 = tpu.memref_slice %arg7[%mul3A_99] : memref<8000xf32, #tpu.memory_space<vmem>> -> memref<2000xf32, #tpu.memory_space<vmem>>
      %dma_wait3A_105 = tpu.memref_slice %arg3[%add3A_90] : memref<6400000xf32, #tpu.memory_space<hbm>> -> memref<2000xf32, #tpu.memory_space<hbm>>
      tpu.wait_dma2 semaphore(%dma_wait3A_103 : memref<!tpu.dma_semaphore, #tpu.memory_space<semaphore_mem>>) src(%dma_wait3A_105 : memref<2000xf32, #tpu.memory_space<hbm>>) dst(%dma_wait3A_104 : memref<2000xf32, #tpu.memory_space<vmem>>)
      %mul3A_106 = arith.constant 2000 : i32
      %mul3A_107 = arith.muli %rem3A_82, %mul3A_106 : i32
      %mul3A_108 = arith.constant 2000 : i32
      %mul3A_109 = arith.muli %rem3A_82, %mul3A_108 : i32
      %scan3A_110 = arith.constant 0 : i32
      %scan3A_111 = arith.constant 0 : i32
      %scan3A_112 = arith.constant 25 : i32
      %scan3A_113 = arith.addi %scan3A_111, %scan3A_112 : i32
      %scan3A_114 = arith.constant 1 : i32
      scf.for %scan3A_116 = %scan3A_111 to %scan3A_113 step %scan3A_114  : i32 {
        %mul3A_117 = arith.constant 5 : i32
        %mul3A_118 = arith.muli %scan3A_116, %mul3A_117 : i32
        %add3A_119 = arith.constant 0 : i32
        %add3A_120 = arith.addi %mul3A_118, %add3A_119 : i32
        %mul3A_121 = arith.constant 16 : i32
        %mul3A_122 = arith.muli %add3A_120, %mul3A_121 : i32
        %add3A_123 = arith.addi %mul3A_107, %mul3A_122 : i32
        %get3A = arith.index_cast %add3A_123 : i32 to index
        %get3A_124 = tpu.vector_load %arg6[%get3A] {strides = array<i32>} : memref<8016xi32, #tpu.memory_space<vmem>>, vector<16xi32>,
        %mul3A_125 = arith.constant 16 : i32
        %mul3A_126 = arith.muli %add3A_120, %mul3A_125 : i32
        %add3A_127 = arith.addi %mul3A_107, %mul3A_126 : i32
        %add3A_128 = arith.constant 1 : i32
        %add3A_129 = arith.addi %add3A_127, %add3A_128 : i32
        %get3A_130 = arith.index_cast %add3A_129 : i32 to index
        %get3A_131 = tpu.vector_load %arg6[%get3A_130] {strides = array<i32>} : memref<8016xi32, #tpu.memory_space<vmem>>, vector<16xi32>,
        %mul3A_132 = arith.constant 16 : i32
        %mul3A_133 = arith.muli %add3A_120, %mul3A_132 : i32
        %add3A_134 = arith.addi %mul3A_109, %mul3A_133 : i32
        %get3A_135 = arith.index_cast %add3A_134 : i32 to index
        %get3A_136 = tpu.vector_load %arg7[%get3A_135] {strides = array<i32>} : memref<8000xf32, #tpu.memory_space<vmem>>, vector<16xf32>,
        %mul3A_137 = arith.constant 5 : i32
        %mul3A_138 = arith.muli %scan3A_116, %mul3A_137 : i32
        %add3A_139 = arith.constant 1 : i32
        %add3A_140 = arith.addi %mul3A_138, %add3A_139 : i32
        %mul3A_141 = arith.constant 16 : i32
        %mul3A_142 = arith.muli %add3A_140, %mul3A_141 : i32
        %add3A_143 = arith.addi %mul3A_107, %mul3A_142 : i32
        %get3A_144 = arith.index_cast %add3A_143 : i32 to index
        %get3A_145 = tpu.vector_load %arg6[%get3A_144] {strides = array<i32>} : memref<8016xi32, #tpu.memory_space<vmem>>, vector<16xi32>,
        %mul3A_146 = arith.constant 16 : i32
        %mul3A_147 = arith.muli %add3A_140, %mul3A_146 : i32
        %add3A_148 = arith.addi %mul3A_107, %mul3A_147 : i32
        %add3A_149 = arith.constant 1 : i32
        %add3A_150 = arith.addi %add3A_148, %add3A_149 : i32
        %get3A_151 = arith.index_cast %add3A_150 : i32 to index
        %get3A_152 = tpu.vector_load %arg6[%get3A_151] {strides = array<i32>} : memref<8016xi32, #tpu.memory_space<vmem>>, vector<16xi32>,
        %mul3A_153 = arith.constant 16 : i32
        %mul3A_154 = arith.muli %add3A_140, %mul3A_153 : i32
        %add3A_155 = arith.addi %mul3A_109, %mul3A_154 : i32
        %get3A_156 = arith.index_cast %add3A_155 : i32 to index
        %get3A_157 = tpu.vector_load %arg7[%get3A_156] {strides = array<i32>} : memref<8000xf32, #tpu.memory_space<vmem>>, vector<16xf32>,
        %mul3A_158 = arith.constant 5 : i32
        %mul3A_159 = arith.muli %scan3A_116, %mul3A_158 : i32
        %add3A_160 = arith.constant 2 : i32
        %add3A_161 = arith.addi %mul3A_159, %add3A_160 : i32
        %mul3A_162 = arith.constant 16 : i32
        %mul3A_163 = arith.muli %add3A_161, %mul3A_162 : i32
        %add3A_164 = arith.addi %mul3A_107, %mul3A_163 : i32
        %get3A_165 = arith.index_cast %add3A_164 : i32 to index
        %get3A_166 = tpu.vector_load %arg6[%get3A_165] {strides = array<i32>} : memref<8016xi32, #tpu.memory_space<vmem>>, vector<16xi32>,
        %mul3A_167 = arith.constant 16 : i32
        %mul3A_168 = arith.muli %add3A_161, %mul3A_167 : i32
        %add3A_169 = arith.addi %mul3A_107, %mul3A_168 : i32
        %add3A_170 = arith.constant 1 : i32
        %add3A_171 = arith.addi %add3A_169, %add3A_170 : i32
        %get3A_172 = arith.index_cast %add3A_171 : i32 to index
        %get3A_173 = tpu.vector_load %arg6[%get3A_172] {strides = array<i32>} : memref<8016xi32, #tpu.memory_space<vmem>>, vector<16xi32>,
        %mul3A_174 = arith.constant 16 : i32
        %mul3A_175 = arith.muli %add3A_161, %mul3A_174 : i32
        %add3A_176 = arith.addi %mul3A_109, %mul3A_175 : i32
        %get3A_177 = arith.index_cast %add3A_176 : i32 to index
        %get3A_178 = tpu.vector_load %arg7[%get3A_177] {strides = array<i32>} : memref<8000xf32, #tpu.memory_space<vmem>>, vector<16xf32>,
        %mul3A_179 = arith.constant 5 : i32
        %mul3A_180 = arith.muli %scan3A_116, %mul3A_179 : i32
        %add3A_181 = arith.constant 3 : i32
        %add3A_182 = arith.addi %mul3A_180, %add3A_181 : i32
        %mul3A_183 = arith.constant 16 : i32
        %mul3A_184 = arith.muli %add3A_182, %mul3A_183 : i32
        %add3A_185 = arith.addi %mul3A_107, %mul3A_184 : i32
        %get3A_186 = arith.index_cast %add3A_185 : i32 to index
        %get3A_187 = tpu.vector_load %arg6[%get3A_186] {strides = array<i32>} : memref<8016xi32, #tpu.memory_space<vmem>>, vector<16xi32>,
        %mul3A_188 = arith.constant 16 : i32
        %mul3A_189 = arith.muli %add3A_182, %mul3A_188 : i32
        %add3A_190 = arith.addi %mul3A_107, %mul3A_189 : i32
        %add3A_191 = arith.constant 1 : i32
        %add3A_192 = arith.addi %add3A_190, %add3A_191 : i32
        %get3A_193 = arith.index_cast %add3A_192 : i32 to index
        %get3A_194 = tpu.vector_load %arg6[%get3A_193] {strides = array<i32>} : memref<8016xi32, #tpu.memory_space<vmem>>, vector<16xi32>,
        %mul3A_195 = arith.constant 16 : i32
        %mul3A_196 = arith.muli %add3A_182, %mul3A_195 : i32
        %add3A_197 = arith.addi %mul3A_109, %mul3A_196 : i32
        %get3A_198 = arith.index_cast %add3A_197 : i32 to index
        %get3A_199 = tpu.vector_load %arg7[%get3A_198] {strides = array<i32>} : memref<8000xf32, #tpu.memory_space<vmem>>, vector<16xf32>,
        %mul3A_200 = arith.constant 5 : i32
        %mul3A_201 = arith.muli %scan3A_116, %mul3A_200 : i32
        %add3A_202 = arith.constant 4 : i32
        %add3A_203 = arith.addi %mul3A_201, %add3A_202 : i32
        %mul3A_204 = arith.constant 16 : i32
        %mul3A_205 = arith.muli %add3A_203, %mul3A_204 : i32
        %add3A_206 = arith.addi %mul3A_107, %mul3A_205 : i32
        %get3A_207 = arith.index_cast %add3A_206 : i32 to index
        %get3A_208 = tpu.vector_load %arg6[%get3A_207] {strides = array<i32>} : memref<8016xi32, #tpu.memory_space<vmem>>, vector<16xi32>,
        %mul3A_209 = arith.constant 16 : i32
        %mul3A_210 = arith.muli %add3A_203, %mul3A_209 : i32
        %add3A_211 = arith.addi %mul3A_107, %mul3A_210 : i32
        %add3A_212 = arith.constant 1 : i32
        %add3A_213 = arith.addi %add3A_211, %add3A_212 : i32
        %get3A_214 = arith.index_cast %add3A_213 : i32 to index
        %get3A_215 = tpu.vector_load %arg6[%get3A_214] {strides = array<i32>} : memref<8016xi32, #tpu.memory_space<vmem>>, vector<16xi32>,
        %mul3A_216 = arith.constant 16 : i32
        %mul3A_217 = arith.muli %add3A_203, %mul3A_216 : i32
        %add3A_218 = arith.addi %mul3A_109, %mul3A_217 : i32
        %get3A_219 = arith.index_cast %add3A_218 : i32 to index
        %get3A_220 = tpu.vector_load %arg7[%get3A_219] {strides = array<i32>} : memref<8000xf32, #tpu.memory_space<vmem>>, vector<16xf32>,
        %broadcast_in_dim3A_221 = arith.constant true
        %broadcast_in_dim3A_222 = vector.broadcast %broadcast_in_dim3A_221 : i1 to vector<16xi1>
        %masked_cumsum3A = tpu.scan <sum>, %get3A_136 masked %broadcast_in_dim3A_222 : vector<16xf32>, vector<16xi1> -> vector<16xf32>
        %ne3A_223 = arith.cmpi ne, %get3A_124, %get3A_131 : vector<16xi32>
        %broadcast_in_dim3A_224 = arith.constant true
        %broadcast_in_dim3A_225 = vector.broadcast %broadcast_in_dim3A_224 : i1 to vector<16xi1>
        %masked_cumsum3A_226 = tpu.scan <sum>, %get3A_157 masked %broadcast_in_dim3A_225 : vector<16xf32>, vector<16xi1> -> vector<16xf32>
        %ne3A_227 = arith.cmpi ne, %get3A_145, %get3A_152 : vector<16xi32>
        %broadcast_in_dim3A_228 = arith.constant true
        %broadcast_in_dim3A_229 = vector.broadcast %broadcast_in_dim3A_228 : i1 to vector<16xi1>
        %masked_cumsum3A_230 = tpu.scan <sum>, %get3A_178 masked %broadcast_in_dim3A_229 : vector<16xf32>, vector<16xi1> -> vector<16xf32>
        %ne3A_231 = arith.cmpi ne, %get3A_166, %get3A_173 : vector<16xi32>
        %broadcast_in_dim3A_232 = arith.constant true
        %broadcast_in_dim3A_233 = vector.broadcast %broadcast_in_dim3A_232 : i1 to vector<16xi1>
        %masked_cumsum3A_234 = tpu.scan <sum>, %get3A_199 masked %broadcast_in_dim3A_233 : vector<16xf32>, vector<16xi1> -> vector<16xf32>
        %ne3A_235 = arith.cmpi ne, %get3A_187, %get3A_194 : vector<16xi32>
        %broadcast_in_dim3A_236 = arith.constant true
        %broadcast_in_dim3A_237 = vector.broadcast %broadcast_in_dim3A_236 : i1 to vector<16xi1>
        %masked_cumsum3A_238 = tpu.scan <sum>, %get3A_220 masked %broadcast_in_dim3A_237 : vector<16xf32>, vector<16xi1> -> vector<16xf32>
        %ne3A_239 = arith.cmpi ne, %get3A_208, %get3A_215 : vector<16xi32>
        %or3A = arith.ori %ne3A_223, %eq3A_5 : vector<16xi1>
        tpu.vector_store_idx %arg5[%get3A_124], %masked_cumsum3A masked %or3A {add = true} : memref<100000xf32, #tpu.memory_space<vmem>>[vector<16xi32>], vector<16xf32>, vector<16xi1>
        %neg3A = arith.constant 0.000000e+00 : f32
        %neg3A_240 = vector.broadcast %neg3A : f32 to vector<16xf32>
        %neg3A_241 = arith.subf %neg3A_240, %masked_cumsum3A : vector<16xf32>
        %and3A = arith.andi %ne3A_223, %ne3A_7 : vector<16xi1>
        tpu.vector_store_idx %arg5[%get3A_131], %neg3A_241 masked %and3A {add = true} : memref<100000xf32, #tpu.memory_space<vmem>>[vector<16xi32>], vector<16xf32>, vector<16xi1>
        %or3A_242 = arith.ori %ne3A_227, %eq3A_5 : vector<16xi1>
        tpu.vector_store_idx %arg5[%get3A_145], %masked_cumsum3A_226 masked %or3A_242 {add = true} : memref<100000xf32, #tpu.memory_space<vmem>>[vector<16xi32>], vector<16xf32>, vector<16xi1>
        %neg3A_243 = arith.constant 0.000000e+00 : f32
        %neg3A_244 = vector.broadcast %neg3A_243 : f32 to vector<16xf32>
        %neg3A_245 = arith.subf %neg3A_244, %masked_cumsum3A_226 : vector<16xf32>
        %and3A_246 = arith.andi %ne3A_227, %ne3A_7 : vector<16xi1>
        tpu.vector_store_idx %arg5[%get3A_152], %neg3A_245 masked %and3A_246 {add = true} : memref<100000xf32, #tpu.memory_space<vmem>>[vector<16xi32>], vector<16xf32>, vector<16xi1>
        %or3A_247 = arith.ori %ne3A_231, %eq3A_5 : vector<16xi1>
        tpu.vector_store_idx %arg5[%get3A_166], %masked_cumsum3A_230 masked %or3A_247 {add = true} : memref<100000xf32, #tpu.memory_space<vmem>>[vector<16xi32>], vector<16xf32>, vector<16xi1>
        %neg3A_248 = arith.constant 0.000000e+00 : f32
        %neg3A_249 = vector.broadcast %neg3A_248 : f32 to vector<16xf32>
        %neg3A_250 = arith.subf %neg3A_249, %masked_cumsum3A_230 : vector<16xf32>
        %and3A_251 = arith.andi %ne3A_231, %ne3A_7 : vector<16xi1>
        tpu.vector_store_idx %arg5[%get3A_173], %neg3A_250 masked %and3A_251 {add = true} : memref<100000xf32, #tpu.memory_space<vmem>>[vector<16xi32>], vector<16xf32>, vector<16xi1>
        %or3A_252 = arith.ori %ne3A_235, %eq3A_5 : vector<16xi1>
        tpu.vector_store_idx %arg5[%get3A_187], %masked_cumsum3A_234 masked %or3A_252 {add = true} : memref<100000xf32, #tpu.memory_space<vmem>>[vector<16xi32>], vector<16xf32>, vector<16xi1>
        %neg3A_253 = arith.constant 0.000000e+00 : f32
        %neg3A_254 = vector.broadcast %neg3A_253 : f32 to vector<16xf32>
        %neg3A_255 = arith.subf %neg3A_254, %masked_cumsum3A_234 : vector<16xf32>
        %and3A_256 = arith.andi %ne3A_235, %ne3A_7 : vector<16xi1>
        tpu.vector_store_idx %arg5[%get3A_194], %neg3A_255 masked %and3A_256 {add = true} : memref<100000xf32, #tpu.memory_space<vmem>>[vector<16xi32>], vector<16xf32>, vector<16xi1>
        %or3A_257 = arith.ori %ne3A_239, %eq3A_5 : vector<16xi1>
        tpu.vector_store_idx %arg5[%get3A_208], %masked_cumsum3A_238 masked %or3A_257 {add = true} : memref<100000xf32, #tpu.memory_space<vmem>>[vector<16xi32>], vector<16xf32>, vector<16xi1>
        %neg3A_258 = arith.constant 0.000000e+00 : f32
        %neg3A_259 = vector.broadcast %neg3A_258 : f32 to vector<16xf32>
        %neg3A_260 = arith.subf %neg3A_259, %masked_cumsum3A_238 : vector<16xf32>
        %and3A_261 = arith.andi %ne3A_239, %ne3A_7 : vector<16xi1>
        tpu.vector_store_idx %arg5[%get3A_215], %neg3A_260 masked %and3A_261 {add = true} : memref<100000xf32, #tpu.memory_space<vmem>>[vector<16xi32>], vector<16xf32>, vector<16xi1>
      }
      %scan3A_115 = arith.constant 25 : i32
    }
    %scan3A_80 = arith.constant 100 : i32
    "tpu.region"() ({
      %run_scoped3A = tpu.sem_alloc : memref<!tpu.dma_semaphore, #tpu.memory_space<semaphore_mem>>
      %dma_start3A_81 = arith.constant 0 : i32
      %dma_start3A_82 = tpu.memref_slice %arg4[%add3A, %dma_start3A_81] : memref<32x100000xf32, #tpu.memory_space<hbm>> -> memref<1x100000xf32, #tpu.memory_space<hbm>>
      %dma_start3A_83 = tpu.memref_squeeze %dma_start3A_82 : memref<1x100000xf32, #tpu.memory_space<hbm>> -> memref<100000xf32, #tpu.memory_space<hbm>>
      %dma_start3A_84 = arith.constant 0 : i32
      %dma_start3A_85 = tpu.memref_slice %arg4[%add3A, %dma_start3A_84] : memref<32x100000xf32, #tpu.memory_space<hbm>> -> memref<1x100000xf32, #tpu.memory_space<hbm>>
      %dma_start3A_86 = tpu.memref_squeeze %dma_start3A_85 : memref<1x100000xf32, #tpu.memory_space<hbm>> -> memref<100000xf32, #tpu.memory_space<hbm>>
      tpu.enqueue_dma source(%arg5 : memref<100000xf32, #tpu.memory_space<vmem>>) target(%dma_start3A_86 : memref<100000xf32, #tpu.memory_space<hbm>>) target_semaphore(%run_scoped3A : memref<!tpu.dma_semaphore, #tpu.memory_space<semaphore_mem>>)
      %dma_wait3A = arith.constant 0 : i32
      %dma_wait3A_87 = tpu.memref_slice %arg4[%add3A, %dma_wait3A] : memref<32x100000xf32, #tpu.memory_space<hbm>> -> memref<1x100000xf32, #tpu.memory_space<hbm>>
      %dma_wait3A_88 = tpu.memref_squeeze %dma_wait3A_87 : memref<1x100000xf32, #tpu.memory_space<hbm>> -> memref<100000xf32, #tpu.memory_space<hbm>>
      %dma_wait3A_89 = arith.constant 0 : i32
      %dma_wait3A_90 = tpu.memref_slice %arg4[%add3A, %dma_wait3A_89] : memref<32x100000xf32, #tpu.memory_space<hbm>> -> memref<1x100000xf32, #tpu.memory_space<hbm>>
      %dma_wait3A_91 = tpu.memref_squeeze %dma_wait3A_90 : memref<1x100000xf32, #tpu.memory_space<hbm>> -> memref<100000xf32, #tpu.memory_space<hbm>>
      tpu.wait_dma2 semaphore(%run_scoped3A : memref<!tpu.dma_semaphore, #tpu.memory_space<semaphore_mem>>) src(%arg5 : memref<100000xf32, #tpu.memory_space<vmem>>) dst(%dma_wait3A_91 : memref<100000xf32, #tpu.memory_space<hbm>>)
      tpu.yield
    }) : () -> ()
    return
  }
}

module attributes {stable_mosaic.version = 14 : i64} {
  func.func @_tc_combine(%arg0: memref<32x200x500xf32, #tpu.memory_space<vmem>>, %arg1: memref<200x500xf32, #tpu.memory_space<vmem>>, %arg2: memref<200x500xf32, #tpu.memory_space<vmem>>) attributes {dimension_semantics = [], scalar_prefetch = 0 : i64, scratch_operands = 0 : i64, tpu.core_type = #tpu.core_type<tc>} {
    %get3A = arith.constant 0 : index
    %get3A_0 = arith.constant 0 : index
    %get3A_1 = arith.constant 0 : index
    %get3A_2 = vector.load %arg0[%get3A, %get3A_0, %get3A_1] : memref<32x200x500xf32, #tpu.memory_space<vmem>>, vector<32x200x500xf32>
    %reduce_sum3A = arith.constant dense<0.000000e+00> : vector<200x500xf32>
    %reduce_sum3A_3 = vector.multi_reduction <add>, %get3A_2, %reduce_sum3A [0] : vector<32x200x500xf32> to vector<200x500xf32>
    %get3A_4 = arith.constant 0 : index
    %get3A_5 = arith.constant 0 : index
    %get3A_6 = vector.load %arg1[%get3A_4, %get3A_5] : memref<200x500xf32, #tpu.memory_space<vmem>>, vector<200x500xf32>
    %add3A = arith.addf %reduce_sum3A_3, %get3A_6 : vector<200x500xf32>
    %swap3A = arith.constant 0 : index
    %swap3A_7 = arith.constant 0 : index
    %swap3A_8 = vector.load %arg2[%swap3A, %swap3A_7] : memref<200x500xf32, #tpu.memory_space<vmem>>, vector<200x500xf32>
    tpu.vector_store %arg2[%swap3A, %swap3A_7], %add3A {strides = array<i32>} : memref<200x500xf32, #tpu.memory_space<vmem>>, vector<200x500xf32>,
    return
  }
}

</mosaic_0001>

<sc_bundles>
// kernel: kernel.4.cloned.1.call-start
scs
__scs_entry_jumppad:
0x0: {  	(pc) =	sbr.rel $0x88, $3  }
0x1: {  	(tag) =	ssettag $0x0;
	lr =	simm.s32 $0x1  }
0x2: {  	[smem:$0x3F9E] =	sst lr;
	_ =	strace $0xD0000000  }
0x3: {  	_ = 	snop  }
0x4: {  	_ = 	snop  }
0x5: {  	_ = 	snop  }
0x6: {  	_ = 	snop  }
0x7: {  	_ = 	snop  }
__scs_overlays_trampoline_lowered:
0x8: {  	[smem:$0x3FAD] =	sst s0  }
0x9: {  	[smem:$0x3FAE] =	sst s1  }
0xa: {  	[smem:$0x3FAF] =	sst s2  }
0xb: {  	[smem:$0x3FB0] =	sst s3  }
0xc: {  	[smem:$0x3FB1] =	sst s4  }
0xd: {  	[smem:$0x3FB2] =	sst s5  }
0xe: {  	[smem:$0x3FB3] =	sst s6  }
0xf: {  	[smem:$0x3FB4] =	sst s7  }
0x10: {  	[smem:$0x3FB5] =	sst s8  }
0x11: {  	[smem:$0x3FB6] =	sst s9;
	s0 =	simm.s32 @!p0 $0x0  }
0x12: {  	s1 =	sld [smem:$0x3F9C];
	s0 =	simm.s32 @p0 $0x1  }
0x13: {  	[smem:$0x3FB7] =	sst s0;
	s0 =	simm.s32 @!p1 $0x0  }
0x14: {  	s2 =	sld [smem:$0x3F9B];
	s0 =	simm.s32 @p1 $0x1  }
0x15: {  	[smem:$0x3FB8] =	sst s0;
	s0 =	simm.s32 @!p2 $0x0  }
0x16: {  	s3 =	sld [smem:$0x3FDB];
	s0 =	simm.s32 @p2 $0x1  }
0x17: {  	s4 =	simm.s32 $0x1BF5;
	[smem:$0x3FBA] =	sst s0  }
0x18: {  	s0 =	sld [smem:$0x3F9D];
	_ =	swait.ge [sflag:s4], $0x0  }
0x19: {  	s7 =	sld [smem:$0x3F9E]  }
0x1a: {  	s8 =	sadd.s32 $0xFFFFE003, lr  }
0x1b: {  	s9 =	sadd.s32 $0xFFFFFEF7, lr;
	s5 =	simm.s32 $0xFFFFFFFF;
	p2 =	slt.u32 s8, $0xFFFFF086  }
0x1c: {  	p1 =	slt.u32 s9, $0xF7A;
	s5 =	simm.s32 @!p2 $0x0  }
0x1d: {  	s5 =	simm.s32 @p1 $0x1;
	p0 =	seq.s32 s7, s2  }
0x1e: {  	s7 =	smul.u32 @!p0 $0xF7A, s2;
	p2 =	seq.s32 @!p0 s5, $0x0  }
0x1f: {  	s9 =	smul.u32 $0xF7A, s1;
	s8 =	simm.s32 @!p0 $0x1BF5;
	p2 =	por !p2, p0  }
0x20: {  	[sflag:s8] =	ssyncset.s32 @!p0 $0xFFFFF086;
	s6 =	sadd.s32 @!p0 s3, s7;
	s7 =	simm.s32 @!p0 $0x108  }
0x21: {  	s3 =	sadd.s32 s3, s9;
	s6 =	sadd.s32 @!p0 $0x88, s6;
	s7 =	simm.s32 @p2 $0x1082  }
0x22: {  	[simem:s7], [sflag:s8] =	dma.local @!p0 [hbm:s6], $0xF7A  }
0x23: {  	s9 =	sor.u32 $0xD0000000, s2;
	s6 =	simm.s32 $0x108;
	_ =	swait.ge @!p0 [sflag:s8], $0x0  }
0x24: {  	s3 =	sadd.s32 $0x88, s3;
	s6 =	simm.s32 @!p1 $0x1082;
	[sflag:s4] =	ssyncset.s32 $0xFFFFF086  }
0x25: {  	[simem:s6], [sflag:s4] =	dma.local [hbm:s3], $0xF7A  }
0x26: {  	[smem:$0x3F9E] =	sst s1;
	(tag) =	ssettag s2;
	_ =	strace s9  }
0x27: {  	s1 =	sld [smem:$0x3FAE]  }
0x28: {  	s2 =	sld [smem:$0x3FAF]  }
0x29: {  	s4 =	sld [smem:$0x3FB1]  }
0x2a: {  	p0 =	seq.s32 s5, $0x0;
	s5 =	sld [smem:$0x3FB2]  }
0x2b: {  	s6 =	sld [smem:$0x3FB3]  }
0x2c: {  	s7 =	sld [smem:$0x3FB4]  }
0x2d: {  	s3 =	simm.s32 $0x108;
	s8 =	sld [smem:$0x3FB5]  }
0x2e: {  	s3 =	simm.s32 @!p0 $0x1082;
	s9 =	sld [smem:$0x3FB6]  }
0x2f: {  	lr =	sadd.s32 s0, s3;
	s0 =	sld [smem:$0x3FAD]  }
0x30: {  	s3 =	sld [smem:$0x3FB0]  }
0x31: {  	[smem:$0x3FB9] =	sst s10  }
0x32: {  	s10 =	sld [smem:$0x3FB7];
	_ =	sdelay $0x3  }
0x33: {  	p0 =	seq.s32 s10, $0x1;
	s10 =	sld [smem:$0x3FB9];
	_ =	sdelay $0x3  }
0x34: {  	[smem:$0x3FB9] =	sst s10  }
0x35: {  	s10 =	sld [smem:$0x3FB8];
	_ =	sdelay $0x3  }
0x36: {  	p1 =	seq.s32 s10, $0x1;
	s10 =	sld [smem:$0x3FB9];
	_ =	sdelay $0x3  }
0x37: {  	[smem:$0x3FB9] =	sst s10  }
0x38: {  	s10 =	sld [smem:$0x3FBA]  }
0x39: {  	_ = 	snop;
	(pc) =	sbr.ind lr, $3  }
0x3a: {  	_ = 	snop  }
0x3b: {  	_ = 	snop  }
0x3c: {  	p2 =	seq.s32 s10, $0x1;
	s10 =	sld [smem:$0x3FB9]  }
0x3d: {  	_ =	shalt  }
0x3e: {  	_ =	shalt  }
0x3f: {  	_ =	shalt  }
0x40: {  	_ =	shalt  }
0x41: {  	_ =	shalt  }
0x42: {  	_ =	shalt  }
0x43: {  	_ =	shalt  }
0x44: {  	_ =	shalt  }
0x45: {  	_ =	shalt  }
0x46: {  	_ =	shalt  }
0x47: {  	_ =	shalt  }
0x48: {  	_ =	shalt  }
0x49: {  	_ =	shalt  }
0x4a: {  	_ =	shalt  }
0x4b: {  	_ =	shalt  }
0x4c: {  	_ =	shalt  }
0x4d: {  	_ =	shalt  }
0x4e: {  	_ =	shalt  }
0x4f: {  	_ =	shalt  }
0x50: {  	_ =	shalt  }
0x51: {  	_ =	shalt  }
0x52: {  	_ =	shalt  }
0x53: {  	_ =	shalt  }
0x54: {  	_ =	shalt  }
0x55: {  	_ =	shalt  }
0x56: {  	_ =	shalt  }
0x57: {  	_ =	shalt  }
0x58: {  	_ =	shalt  }
0x59: {  	_ =	shalt  }
0x5a: {  	_ =	shalt  }
0x5b: {  	_ =	shalt  }
0x5c: {  	_ =	shalt  }
0x5d: {  	_ =	shalt  }
0x5e: {  	_ =	shalt  }
0x5f: {  	_ =	shalt  }
0x60: {  	_ =	shalt  }
0x61: {  	_ =	shalt  }
0x62: {  	_ =	shalt  }
0x63: {  	_ =	shalt  }
0x64: {  	_ =	shalt  }
0x65: {  	_ =	shalt  }
0x66: {  	_ =	shalt  }
0x67: {  	_ =	shalt  }
0x68: {  	_ =	shalt  }
0x69: {  	_ =	shalt  }
0x6a: {  	_ =	shalt  }
0x6b: {  	_ =	shalt  }
0x6c: {  	_ =	shalt  }
0x6d: {  	_ =	shalt  }
0x6e: {  	_ =	shalt  }
0x6f: {  	_ =	shalt  }
0x70: {  	_ =	shalt  }
0x71: {  	_ =	shalt  }
0x72: {  	_ =	shalt  }
0x73: {  	_ =	shalt  }
0x74: {  	_ =	shalt  }
0x75: {  	_ =	shalt  }
0x76: {  	_ =	shalt  }
0x77: {  	_ =	shalt  }
0x78: {  	_ =	shalt  }
0x79: {  	_ =	shalt  }
0x7a: {  	_ =	shalt  }
0x7b: {  	_ =	shalt  }
0x7c: {  	_ =	shalt  }
0x7d: {  	_ =	shalt  }
0x7e: {  	_ =	shalt  }
0x7f: {  	_ =	shalt  }
0x80: {  	_ =	shalt  }
0x81: {  	_ =	shalt  }
0x82: {  	_ =	shalt  }
0x83: {  	_ =	shalt  }
0x84: {  	_ =	shalt  }
0x85: {  	_ =	shalt  }
0x86: {  	_ =	shalt  }
0x87: {  	_ =	shalt  }
.Lfunc_end0:
.L_simem_size_0:
called_computation_lowered:
.L_overlay_start_0:
0x88: {  	s2 =	sld [smem:$0x3FD9]  }
0x89: {  	s3 =	sld [smem:$0x3FFE];
	_ =	sdelay $0x1  }
0x8a: {  	s1 =	srdreg.scid  }
0x8b: {  	s0 =	sand.u32 $0x1, s1  }
0x8c: {  	s17 =	sshll.u32 s0, $0xA;
	s2 =	sadd.s32 s3, s2  }
0x8d: {  	s2 =	sadd.s32 s2, s17  }
0x8e: {  	[smem:$0x3FC5] =	sst s2  }
0x8f: {  	_ = 	snop  }
0x90: {  	s2 =	sld [smem:$0x3FC9]  }
0x91: {  	s18 =	sld [smem:$0x3FC7];
	(tm) =	ssettm $0x1  }
0x92: {  	s4 =	sld [smem:$0x3FFB];
	_ =	sdelay $0x3  }
0x93: {  	_ =	strace s4  }
0x94: {  	s4 =	sld [smem:$0x3FFC];
	_ =	sdelay $0x3  }
0x95: {  	_ =	strace s4  }
0x96: {  	s4 =	sld [smem:$0x3FFD];
	_ =	sdelay $0x3  }
0x97: {  	_ =	strace s4  }
0x98: {  	_ =	strace $0x8FFFFFFF  }
0x99: {  	s19 =	sld [smem:$0x3FDB];
	_ =	sdelay $0x1  }
0x9a: {  	s5 =	simm.s32 $_scs_section_size  }
0x9b: {  	s6 =	simm.s32 $_size__tile_overlayer_lowered;
	s7 =	simm.s32 $_tile_overlayer_lowered  }
0x9c: {  	s22 =	simm.s32 $0x1BFF;
	s21 =	sshll.u32 s7, $0x1;
	s4 =	sadd.s32 s5, s19  }
0x9d: {  	s8 =	simm.s32 $0x0;
	s20 =	sshll.u32 s6, $0x1;
	s6 =	sadd.s32 s21, s4  }
0x9e: {  	[timem:s8], [sflag:s22] =	dma.local [hbm:s6], s20  }
0x9f: {  	_ =	swait.ge [sflag:s22], s20  }
0xa0: {  	s5 =	ssub.s32 $0x0, s20;
	[sflag:s22] =	ssyncset.done $0x0  }
0xa1: {  	[sflag:s22] =	ssyncadd.s32 s5;
	_ =	sdelay $0x1  }
0xa2: {  	s23 =	simm.s32 $0x1B8B  }
0xa3: {  	_ =	swait.ge [sflag:s23], $0x1  }
0xa4: {  	[sflag:s23] =	ssyncset.done $0x0  }
0xa5: {  	s25 =	simm.s32 $0x1B8E;
	s24 =	sld [smem:$0x3FFE];
	[sflag:s23] =	ssyncadd.s32 $0xFFFFFFFF  }
0xa6: {  	s26 =	simm.s32 $execute0_lowered;
	[smem:$0x3FD2] =	sst s25  }
0xa7: {  	s6 =	sshll.u32 s26, $0x1;
	_ =	strace $0x80000046;
	[dreg:$0x1] =	wrdreg $0xFFFFFFFF  }
0xa8: {  	s28 =	simm.s32 $_size_execute0_lowered;
	s4 =	sadd.s32 s4, s6;
	[dreg:$0x0] =	wrdreg $0x0  }
0xa9: {  	s6 =	sshll.u32 s28, $0x1;
	[dreg:$0x2] =	wrdreg s4  }
0xaa: {  	[dreg:$0x3] =	wrdreg s6  }
0xab: {  	[dreg:$0x4] =	wrdreg $0xC0  }
0xac: {  	_ =	task [dreg:s8], $0x5FFFF  }
0xad: {  	[dreg:$0x1] =	wrdreg $0xFFFFFFFF  }
0xae: {  	[dreg:$0x0] =	wrdreg $0x60  }
0xaf: {  	[dreg:$0x2] =	wrdreg s18  }
0xb0: {  	[dreg:$0x3] =	wrdreg s2  }
0xb1: {  	[dreg:$0x4] =	wrdreg s24  }
0xb2: {  	[dreg:$0x5] =	wrdreg $0x9  }
0xb3: {  	_ =	task.clear_ibuf [dreg:s8], $0x6FFFF;
	_ =	strace $0x90000046  }
0xb4: {  	s29 =	simm.s32 $0x9;
	_ =	strace $0x80000048  }
0xb5: {  	_ =	swait.ge [sflag:s29], $0x1  }
0xb6: {  	[sflag:s29] =	ssyncadd.s32 $0xFFFFFFFF  }
0xb7: {  	_ =	strace $0x90000048  }
0xb8: {  	_ =	sfence  }
0xb9: {  	s30 =	sld [smem:$0x0];
	_ =	sdelay $0x2  }
0xba: {  	s31 =	sshll.u32 s1, $0xD;
	s1 =	sshrl.u32 s1, $0x2  }
0xbb: {  	s3 =	sand.u32 $0x4000, s31;
	s1 =	sadd.s32 s1, s30  }
0xbc: {  	s0 =	sor.u32 s3, s0;
	s1 =	sshll.u32 s1, $0x11  }
0xbd: {  	s0 =	sor.u32 s1, s0  }
0xbe: {  	s0 =	sadd.s32 $0x8F2B, s0  }
0xbf: {  	[sflag:s0] =	ssyncadd.remote.s32 $0x1  }
0xc0: {  	_ =	sfence.sel $0xFFFF  }
0xc1: {  	[dreg:$0x0] =	wrdreg $0xFFFFFFFF;
	(pc) =	sbr.abs _section_cstart, $3  }
0xc2: {  	[dreg:$0x1] =	wrdreg $0xFFFFFFFF  }
0xc3: {  	_ =	task.clear_ibuf [dreg:s8], $0x2FFFF;
	_ =	strace $0x9FFFFFFF  }
0xc4: {  	(tm) =	ssettm $0x7FFFFFFF  }
0xc5: {  	_ =	shalt  }
tec
execute0_lowered:
.L_overlay_start_1:
0x0: {  	(tag) =	ssettag $0x1  }
0x1: {  	s1 =	rddreg [dreg:$0x0]  }
0x2: {  	s2 =	srdreg.scid;
	s3 =	rddreg [dreg:$0x1]  }
0x3: {  	s0 =	stileid.u32;
	s7 =	rddreg [dreg:$0x2]  }
0x4: {  	s4 =	simm.s32 $0x0;
	s16 =	simm.s32 $0x18ED0;
	s17 =	simm.s32 $0x1AE50  }
0x5: {  	s18 =	simm.s32 $0x196A0;
	s19 =	simm.s32 $0x1B620;
	s20 =	simm.s32 $0x80  }
0x6: {  	s21 =	simm.s32 $0x400;
	s22 =	simm.s32 $0x9;
	s23 =	simm.s32 $0x0  }
0x7: {  	s6 =	sand.u32 $0x1, s2;
	s28 =	sshll.u32 s0, $0x1;
	s29 =	sshrl.u32 s0, $0x2  }
0x8: {  	[smem:$0x7FF] =	sst s4;
	s5 =	sor.u32 s6, s28;
	s8 =	smul.u32 $0xC3800, s29  }
0x9: {  	s6 =	ssub.s32 $0x2, s6;
	s9 =	sshll.u32 s5, $0x7;
	s5 =	smul.u32 $0x30D40, s5  }
0xa: {  	_ =	strace $0x80000047;
	s30 =	sshrl.u32 s6, $0x1;
	s9 =	sand.u32 $0x380, s9  }
0xb: {  	s13 =	ssub.s32 s6, s30;
	s8 =	sor.u32 s8, s9;
	s31 =	sshrl.u32 s5, $0x3  }
0xc: {  	s13 =	smax.u32 s13, $0x1;
	s8 =	sshrl.u32 s8, $0x3;
	s6 =	sadd.s32 s1, s31  }
0xd: {  	s10 =	sadd.s32 $0xFA, s31;
	s11 =	sadd.s32 $0x1F4, s31;
	s12 =	sadd.s32 s8, s7  }
0xe: {  	s7 =	sadd.s32 s3, s31;
	s8 =	sadd.s32 s1, s10;
	s9 =	sadd.s32 s3, s10  }
0xf: {  	v0 =	vimm.f32 $0.0e+00;
	vm0 =	vcmask $0x3F3C;
	vm1 =	vmmov $0x7fff;
	s10 =	sadd.s32 s1, s11;
	s11 =	sadd.s32 s3, s11;
	s12 =	sadd.s32 $0x600, s12  }
.LBB2_1:
0x10: {  	s0 =	simm.s32 $0x18700  }
0x11: {  	[tilespmem:s0], [sflag:$0x1] =	stream.linear.gather [hbm4b:s6+s4], $0x7D0, $0x38;
	[tilespmem:$0x1C600] =	vst v63  }
0x12: {  	s31 =	simm.s32 $0x1A680  }
0x13: {  	[tilespmem:s31], [sflag:$0x5] =	stream.linear.gather [hbm4b:s7+s4], $0x7D0, $0x38;
	[tilespmem:$0x1C600] =	vst v63  }
0x14: {  	_ = 	snop  }
0x15: {  	[tilespmem:s16], [sflag:$0x2] =	stream.linear.gather [hbm4b:s8+s4], $0x7D0, $0x38;
	[tilespmem:$0x1C600] =	vst v63  }
0x16: {  	_ = 	snop  }
0x17: {  	[tilespmem:s17], [sflag:$0x6] =	stream.linear.gather [hbm4b:s9+s4], $0x7D0, $0x38;
	[tilespmem:$0x1C600] =	vst v63  }
0x18: {  	_ = 	snop  }
0x19: {  	[tilespmem:s18], [sflag:$0x3] =	stream.linear.gather [hbm4b:s10+s4], $0x7D0, $0x38;
	[tilespmem:$0x1C600] =	vst v63  }
0x1a: {  	s24 =	simm.s32 $0x0;
	s25 =	simm.s32 $0x200  }
0x1b: {  	[tilespmem:s19], [sflag:$0x7] =	stream.linear.gather [hbm4b:s11+s4], $0x7D0, $0x38;
	[tilespmem:$0x1C600] =	vst v63  }
.LBB2_2:
0x1c: {  	p0 =	sne.s32 s25, $0x61800;
	[tilespmem:s24+$0x70] =	vst v0  }
0x1d: {  	[tilespmem:s24+$0x0] =	vst v0  }
0x1e: {  	[tilespmem:s24+$0x10] =	vst v0  }
.Ltmp0:
0x1f: {  	[tilespmem:s24+$0x20] =	vst v0;
	(pc) =	sbr.rel @p0 .LBB2_2-.Ltmp0, $4  }
0x20: {  	[tilespmem:s24+$0x30] =	vst v0  }
0x21: {  	[tilespmem:s24+$0x40] =	vst v0  }
0x22: {  	[tilespmem:s24+$0x50] =	vst v0  }
0x23: {  	[tilespmem:s24+$0x60] =	vst v0;
	s24 =	sshra.s32 s25, $0x2;
	s25 =	sadd.s32 $0x200, s25  }
0x24: {  	[tilespmem:s24+$0x70] =	vst v0  }
0x25: {  	[tilespmem:s24+$0x0] =	vst v0  }
0x26: {  	[tilespmem:s24+$0x10] =	vst v0  }
0x27: {  	[tilespmem:s24+$0x20] =	vst v0  }
0x28: {  	[tilespmem:s24+$0x30] =	vst v0  }
0x29: {  	[tilespmem:s24+$0x40] =	vst v0  }
0x2a: {  	[tilespmem:s24+$0x50] =	vst v0  }
0x2b: {  	[tilespmem:s24+$0x60] =	vst v0  }
0x2c: {  	[tilespmem:$0x18680] =	vst v0  }
0x2d: {  	s24 =	simm.s32 $0x0;
	s25 =	simm.s32 $0x0;
	[tilespmem:$0x18690] =	vst v0  }
.LBB2_4:
0x2e: {  	p0 =	sgt.u32 s25, $0x60  }
0x2f: {  	s26 =	sadd.s32 @!p0 $0x3, s25  }
0x30: {  	s28 =	sand.u32 @!p0 $0x3, s26;
	s26 =	smul.u32 @!p0 $0x7D0, s26;
	_ =	sdelay $0x1  }
0x31: {  	s29 =	sand.u32 $0x3, s24;
	s30 =	smul.u32 @!p0 $0x7D0, s28;
	s26 =	sadd.s32 @!p0 s5, s26  }
0x32: {  	s29 =	smul.u32 $0x1F40, s29;
	s15 =	simm.s32 @!p0 $0x0;
	s26 =	sshrl.u32 @!p0 s26, $0x3  }
0x33: {  	s0 =	sadd.s32 @!p0 $0x1, s28;
	s2 =	sadd.s32 @!p0 $0x18700, s30;
	s14 =	sadd.s32 @!p0 s1, s26  }
0x34: {  	[tilespmem:s2], [sflag:s0] =	stream.linear.gather @!p0 [hbm4b:s14+s15], $0x7D0, $0x38;
	[tilespmem:$0x1C600] =	vst v63  }
0x35: {  	s31 =	sand.u32 $0x3, s25;
	s0 =	sadd.s32 @!p0 $0x1A680, s30;
	s2 =	sadd.s32 @!p0 $0x5, s28  }
0x36: {  	s14 =	sadd.s32 @!p0 s3, s26;
	s26 =	sshrl.u32 s29, $0x2;
	s29 =	sadd.s32 $0x1, s31  }
0x37: {  	[tilespmem:s0], [sflag:s2] =	stream.linear.gather @!p0 [hbm4b:s14+s15], $0x7D0, $0x38;
	[tilespmem:$0x1C600] =	vst v63  }
0x38: {  	s30 =	sadd.s32 $0x1A6C0, s26;
	_ =	swait.ge [sflag:s29], $0x7D0  }
0x39: {  	s0 =	sadd.s32 $0x18721, s26;
	v2 =	vmov s30;
	[sflag:s29] =	ssyncset.done $0x0  }
0x3a: {  	s31 =	sadd.s32 $0x5, s31;
	v1 =	vmov s0;
	[sflag:s29] =	ssyncadd.s32 $0xFFFFF830  }
0x3b: {  	_ =	swait.ge [sflag:s31], $0x7D0  }
0x3c: {  	[sflag:s31] =	ssyncset.done $0x0  }
0x3d: {  	s26 =	simm.s32 $0x0;
	[sflag:s31] =	ssyncadd.s32 $0xFFFFF830  }
0x3e: {  	v7 =	vld.idx.msk [tilespmem:v2+s26+$0xFFFFFFD0 ss:$0x1], $0xffff  }
0x3f: {  	v3 =	vld.idx.msk [tilespmem:v1+s26+$0xFFFFFFE0 ss:$0x1], $0xffff  }
0x40: {  	v4 =	vld.idx.msk [tilespmem:v1+s26+$0xFFFFFFDF ss:$0x1], $0xffff  }
0x41: {  	v6 =	vld.idx.msk [tilespmem:v2+s26+$0xFFFFFFC0 ss:$0x1], $0xffff  }
0x42: {  	s28 =	simm.s32 $0x140;
	v5 =	vld.idx.msk [tilespmem:v2+s26+$0xFFFFFFF0 ss:$0x1], $0xffff  }
.LBB2_5:
0x43: {  	p0 =	sne.s32 s28, $0x1E00;
	s0 =	smov.u32 s28;
	s28 =	sadd.s32 $0x140, s28  }
0x44: {  	v8 =	vld.idx.msk [tilespmem:v2+s26+$0xFFFFFFE0 ss:$0x1], $0xffff;
	(xrf2) =	vadd.scan.msk.f32 $0xffff, v7  }
0x45: {  	v7 =	vld.idx.msk [tilespmem:v1+s26+$0xFFFFFFF0 ss:$0x1], $0xffff  }
0x46: {  	vm2 =	vne.s32 v4, v3;
	v9 =	vld.idx.msk [tilespmem:v1+s26+$0xFFFFFFEF ss:$0x1], $0xffff  }
0x47: {  	s0 =	sshra.s32 s0, $0x2;
	(xrf2) =	vadd.scan.msk.f32 $0xffff, v6  }
0x48: {  	v6 =	vld.idx.msk [tilespmem:v2+s26+$0x0 ss:$0x1], $0xffff  }
0x49: {  	v10 =	vld.idx.msk [tilespmem:v1+s26+$0x0 ss:$0x1], $0xffff  }
0x4a: {  	v11 =	vld.idx.msk [tilespmem:v1+s26+$0xFFFFFFFF ss:$0x1], $0xffff;
	(xrf2) =	vadd.scan.msk.f32 $0xffff, v8;
	_ =	sdelay $0x1  }
0x4b: {  	vm4 =	vmor vm2, vm0;
	vm3 =	vne.s32 v9, v7;
	v8 =	vld.idx.msk [tilespmem:v1+s26+$0x10 ss:$0x1], $0xffff  }
0x4c: {  	v12 =	vld.idx.msk [tilespmem:v1+s26+$0xF ss:$0x1], $0xffff;
	(xrf2) =	vadd.scan.msk.f32 $0xffff, v5  }
0x4d: {  	vm2 =	vmand vm2, vm1;
	v5 =	vld.idx.msk [tilespmem:v1+s26+$0x20 ss:$0x1], $0xffff;
	v13, _, _ =	vpop (xrf2)  }
0x4e: {  	vm5 =	vmor vm3, vm0;
	v14 =	vld.idx.msk [tilespmem:v1+s26+$0x1F ss:$0x1], $0xffff;
	s26 =	smov.u32 s0  }
0x4f: {  	vm3 =	vmand vm3, vm1;
	vm6 =	vne.s32 v11, v10;
	(xrf2) =	vadd.scan.msk.f32 $0xffff, v6  }
0x50: {  	vm7 =	vmor vm6, vm0;
	v6, _, _ =	vpop (xrf2)  }
0x51: {  	[tilespmem:v4+s4+$0x0] =	vst.idx.add.f32.msk vm4, v6;
	v6 =	vsub.f32 $0.0e+00, v6  }
0x52: {  	vm6 =	vmand vm6, vm1;
	vm4 =	vne.s32 v12, v8  }
0x53: {  	[tilespmem:v3+s4+$0x0] =	vst.idx.add.f32.msk vm2, v6;
	v3 =	vsub.f32 $0.0e+00, v13;
	vm2 =	vmor vm4, vm0;
	v4, _, _ =	vpop (xrf2)  }
0x54: {  	vm8 =	vne.s32 v14, v5;
	vm4 =	vmand vm4, vm1;
	[tilespmem:v9+s4+$0x0] =	vst.idx.add.f32.msk vm5, v13  }
0x55: {  	[tilespmem:v7+s4+$0x0] =	vst.idx.add.f32.msk vm3, v3;
	vm3 =	vmor vm8, vm0  }
0x56: {  	vm5 =	vmand vm8, vm1;
	v3 =	vsub.f32 $0.0e+00, v4;
	[tilespmem:v11+s4+$0x0] =	vst.idx.add.f32.msk vm7, v4;
	v4, _, _ =	vpop (xrf2);
	_ =	sdelay $0x1  }
0x57: {  	[tilespmem:v10+s4+$0x0] =	vst.idx.add.f32.msk vm6, v3;
	v3 =	vsub.f32 $0.0e+00, v4  }
0x58: {  	[tilespmem:v12+s4+$0x0] =	vst.idx.add.f32.msk vm2, v4;
	v4, _, _ =	vpop (xrf2)  }
0x59: {  	[tilespmem:v8+s4+$0x0] =	vst.idx.add.f32.msk vm4, v3;
	v3 =	vsub.f32 $0.0e+00, v4  }
0x5a: {  	[tilespmem:v14+s4+$0x0] =	vst.idx.add.f32.msk vm3, v4  }
0x5b: {  	[tilespmem:v5+s4+$0x0] =	vst.idx.add.f32.msk vm5, v3  }
.Ltmp1:
0x5c: {  	v7 =	vld.idx.msk [tilespmem:v2+s26+$0xFFFFFFD0 ss:$0x1], $0xffff;
	(pc) =	sbr.rel @p0 .LBB2_5-.Ltmp1, $4  }
0x5d: {  	v3 =	vld.idx.msk [tilespmem:v1+s26+$0xFFFFFFE0 ss:$0x1], $0xffff  }
0x5e: {  	v4 =	vld.idx.msk [tilespmem:v1+s26+$0xFFFFFFDF ss:$0x1], $0xffff  }
0x5f: {  	v6 =	vld.idx.msk [tilespmem:v2+s26+$0xFFFFFFC0 ss:$0x1], $0xffff  }
0x60: {  	v5 =	vld.idx.msk [tilespmem:v2+s26+$0xFFFFFFF0 ss:$0x1], $0xffff  }
0x61: {  	_ =	sdelay $0x2  }
0x62: {  	(xrf2) =	vadd.scan.msk.f32 $0xffff, v7  }
0x63: {  	v8 =	vld.idx.msk [tilespmem:v2+s26+$0xFFFFFFE0 ss:$0x1], $0xffff;
	(xrf2) =	vadd.scan.msk.f32 $0xffff, v6  }
0x64: {  	v59 =	vld.idx.msk [tilespmem:v1+s26+$0xFFFFFFF0 ss:$0x1], $0xffff  }
0x65: {  	v60 =	vld.idx.msk [tilespmem:v1+s26+$0xFFFFFFEF ss:$0x1], $0xffff  }
0x66: {  	v2 =	vld.idx.msk [tilespmem:v2+s26+$0x0 ss:$0x1], $0xffff  }
0x67: {  	v9 =	vld.idx.msk [tilespmem:v1+s26+$0x0 ss:$0x1], $0xffff  }
0x68: {  	v10 =	vld.idx.msk [tilespmem:v1+s26+$0xFFFFFFFF ss:$0x1], $0xffff;
	vm2 =	vne.s32 v4, v3;
	(xrf2) =	vadd.scan.msk.f32 $0xffff, v8  }
0x69: {  	v61 =	vld.idx.msk [tilespmem:v1+s26+$0x10 ss:$0x1], $0xffff;
	vm3 =	vmor vm2, vm0  }
0x6a: {  	v11 =	vld.idx.msk [tilespmem:v1+s26+$0xF ss:$0x1], $0xffff;
	vm2 =	vmand vm2, vm1;
	(xrf2) =	vadd.scan.msk.f32 $0xffff, v5  }
0x6b: {  	v62 =	vld.idx.msk [tilespmem:v1+s26+$0x20 ss:$0x1], $0xffff;
	vm4 =	vne.s32 v60, v59  }
0x6c: {  	v1 =	vld.idx.msk [tilespmem:v1+s26+$0x1F ss:$0x1], $0xffff;
	vm5 =	vmor vm4, vm0;
	(xrf2) =	vadd.scan.msk.f32 $0xffff, v2;
	v2, _, _ =	vpop (xrf2)  }
0x6d: {  	vm6 =	vne.s32 v10, v9;
	vm4 =	vmand vm4, vm1;
	v12, _, _ =	vpop (xrf2)  }
0x6e: {  	vm7 =	vmor vm6, vm0;
	v13 =	vsub.f32 $0.0e+00, v12  }
0x6f: {  	vm8 =	vne.s32 v11, v61;
	vm6 =	vmand vm6, vm1;
	[tilespmem:v4+s4+$0x0] =	vst.idx.add.f32.msk vm3, v12  }
0x70: {  	vm3 =	vmor vm8, vm0;
	[tilespmem:v3+s4+$0x0] =	vst.idx.add.f32.msk vm2, v13;
	v3 =	vsub.f32 $0.0e+00, v2  }
0x71: {  	vm8 =	vmand vm8, vm1;
	vm2 =	vne.s32 v1, v62  }
0x72: {  	v63, _, _ =	vpop (xrf2);
	[tilespmem:v60+s4+$0x0] =	vst.idx.add.f32.msk vm5, v2;
	vm15 =	vmor vm2, vm0  }
0x73: {  	s25 =	sadd.s32 $0x1, s25;
	v2 =	vsub.f32 $0.0e+00, v63;
	vm2 =	vmand vm2, vm1;
	[tilespmem:v59+s4+$0x0] =	vst.idx.add.f32.msk vm4, v3  }
0x74: {  	p0 =	sne.s32 s25, $0x64;
	[tilespmem:v10+s4+$0x0] =	vst.idx.add.f32.msk vm7, v63;
	v3, _, _ =	vpop (xrf2)  }
.Ltmp2:
0x75: {  	[tilespmem:v9+s4+$0x0] =	vst.idx.add.f32.msk vm6, v2;
	v2 =	vsub.f32 $0.0e+00, v3;
	(pc) =	sbr.rel @p0 .LBB2_4-.Ltmp2, $4  }
0x76: {  	[tilespmem:v11+s4+$0x0] =	vst.idx.add.f32.msk vm3, v3;
	v3, _, _ =	vpop (xrf2)  }
0x77: {  	[tilespmem:v61+s4+$0x0] =	vst.idx.add.f32.msk vm8, v2;
	v2 =	vsub.f32 $0.0e+00, v3  }
0x78: {  	[tilespmem:v1+s4+$0x0] =	vst.idx.add.f32.msk vm15, v3  }
0x79: {  	s24 =	sadd.s32 $0x1, s24;
	[tilespmem:v62+s4+$0x0] =	vst.idx.add.f32.msk vm2, v2  }
0x7a: {  	s23 =	sadd.s32 $0x1, s23  }
0x7b: {  	p0 =	sne.s32 s23, s13  }
.Ltmp3:
0x7c: {  	_ = 	snop;
	(pc) =	sbr.rel @p0 .LBB2_1-.Ltmp3, $4  }
0x7d: {  	[hbm4b:s12+s20] =	stream.strided.scatter [tilespmem:s4], [sflag:$0x9], $0x18700, s21, s20, $0x38;
	[tilespmem:$0x1C600] =	vst v63  }
0x7e: {  	_ =	swait.ge [sflag:s22], $0x18700  }
0x7f: {  	[sflag:s22] =	ssyncset.done $0x0  }
0x80: {  	[sflag:s22] =	ssyncadd.s32 $0xFFFE7900  }
0x81: {  	_ =	sfence.sel $0x180000  }
0x82: {  	[bflag:$0x0] =	sbarrier.arrive $0xFFFF  }
0x83: {  	_ =	strace $0x90000047  }
0x84: {  	s0 =	stileid.u32;
	[bflag:$0x2] =	sbarrier.arrive $0xFFFF  }
0x85: {  	p0 =	sne.s32 s0, $0x0;
	s0 =	rddreg [dreg:$0x3]  }
0x86: {  	s0 =	sadd.s32 @!p0 $0x100000, s0  }
0x87: {  	[sflag:s0] =	ssyncadd.tile.s32 @!p0 $0x1;
	_ =	shalt  }
.Lfunc_end2:
_tile_overlayer_lowered:
.L_overlay_start_2:
0x88: {  	(tag) =	ssettag $0x2  }
0x89: {  	s0 =	rddreg [dreg:$0x0];
	s2 =	stileid.u32  }
0x8a: {  	s1 =	rddreg [dreg:$0x1];
	p0 =	sne.s32 s2, $0x0  }
0x8b: {  	s3 =	rddreg [dreg:$0x2];
	[bflag:$0x3] =	sbarrier.arrive $0xFFFF;
	s2 =	simm.s32 @!p0 $0x1C09  }
0x8c: {  	[timem:s3], [sflag:s2] =	dma.local @!p0 [hbm:s0], s1  }
0x8d: {  	s0 =	simm.s32 @!p0 $0x9  }
0x8e: {  	_ =	swait.ge @!p0 [sflag:s0], s1  }
0x8f: {  	s1 =	ssub.s32 @!p0 $0x0, s1;
	[sflag:s0] =	ssyncset.done @!p0 $0x0  }
0x90: {  	[sflag:s0] =	ssyncadd.s32 @!p0 s1  }
0x91: {  	[bflag:$0x3] =	sbarrier.arrive $0xFFFF  }
0x92: {  	_ =	shalt  }

</sc_bundles>
